<compile_context>
chip_gen: v7x
topology: tpu7x:2x2x1
jax: 0.10.2.dev20260603
libtpu: 0.0.44.dev20260713+nightly
codegen_flags: <defaults>
</compile_context>

<pallas_src>
import functools

import jax
import jax.numpy as jnp
from jax import lax
from jax.experimental import pallas as pl
from jax.experimental.pallas import tpu as pltpu
from jax.experimental.pallas import tpu_sc as plsc

N = 10000
D = 128
E = 320000

NC = 2
NS = 16
NW = NC * NS
C = 128
NCHUNKS = E // C
CH_FULL = NCHUNKS // NW
CH_EXTRA = NCHUNKS - CH_FULL * NW
RPT = 640
RPT_LAST = N - RPT * (NS - 1)


def _scale_body(h_ref, norm_ref, o_ref):
    o_ref[...] = h_ref[...] * norm_ref[...]


def _scale(h, norm):
    blk = 2000
    return pl.pallas_call(
        _scale_body,
        grid=(N // blk,),
        in_specs=[
            pl.BlockSpec((blk, D), lambda i: (i, 0)),
            pl.BlockSpec((blk, 1), lambda i: (i, 0)),
        ],
        out_specs=pl.BlockSpec((blk, D), lambda i: (i, 0)),
        out_shape=jax.ShapeDtypeStruct((N, D), jnp.float32),
    )(h, norm)


def _sc_segment_sum(hn, src, dst, zeros):
    mesh = plsc.VectorSubcoreMesh(core_axis_name="c", subcore_axis_name="s")

    @functools.partial(
        pl.kernel,
        out_type=jax.ShapeDtypeStruct((NC, N, D), jnp.float32),
        mesh=mesh,
        scratch_types=[
            pltpu.VMEM((C,), jnp.int32),
            pltpu.VMEM((C,), jnp.int32),
            pltpu.VMEM((C, D), jnp.float32),
            pltpu.VMEM_SHARED((N, D), jnp.float32),
            pltpu.SemaphoreType.DMA,
        ],
    )
    def sc_kernel(hn_hbm, src_hbm, dst_hbm, z_hbm, out_hbm,
                  sidx, didx, rows, accum, sem):
        cid = lax.axis_index("c")
        sid = lax.axis_index("s")
        wid = cid * NS + sid

        @pl.when(sid < NS - 1)
        def _():
            pltpu.sync_copy(z_hbm.at[pl.ds(sid * RPT, RPT)],
                            accum.at[pl.ds(sid * RPT, RPT)])

        @pl.when(sid == NS - 1)
        def _():
            pltpu.sync_copy(z_hbm.at[pl.ds((NS - 1) * RPT, RPT_LAST)],
                            accum.at[pl.ds((NS - 1) * RPT, RPT_LAST)])

        plsc.subcore_barrier()

        def do_chunk(g):
            off = g * C
            pltpu.sync_copy(src_hbm.at[pl.ds(off, C)], sidx)
            pltpu.sync_copy(dst_hbm.at[pl.ds(off, C)], didx)
            pltpu.async_copy(hn_hbm.at[sidx], rows, sem).wait()
            pltpu.sync_copy(rows, accum.at[didx], add=True)

        @pl.loop(0, CH_FULL)
        def _(ci):
            do_chunk(wid + NW * ci)

        @pl.when(wid < CH_EXTRA)
        def _():
            do_chunk(CH_FULL * NW + wid)

        plsc.subcore_barrier()

        @pl.when(sid < NS - 1)
        def _():
            pltpu.sync_copy(accum.at[pl.ds(sid * RPT, RPT)],
                            out_hbm.at[cid].at[pl.ds(sid * RPT, RPT)])

        @pl.when(sid == NS - 1)
        def _():
            pltpu.sync_copy(accum.at[pl.ds((NS - 1) * RPT, RPT_LAST)],
                            out_hbm.at[cid].at[pl.ds((NS - 1) * RPT, RPT_LAST)])

    return sc_kernel(hn, src, dst, zeros)


def _finish_body(p_ref, norm_ref, w_ref, b_ref, o_ref):
    acc = (p_ref[0] + p_ref[1]) * norm_ref[...]
    out = jnp.dot(acc, w_ref[...], preferred_element_type=jnp.float32)
    o_ref[...] = jnp.maximum(out + b_ref[...], 0.0)


def _finish(partials, norm, W, b2):
    blk = 1000
    return pl.pallas_call(
        _finish_body,
        grid=(N // blk,),
        in_specs=[
            pl.BlockSpec((NC, blk, D), lambda i: (0, i, 0)),
            pl.BlockSpec((blk, 1), lambda i: (i, 0)),
            pl.BlockSpec((D, D), lambda i: (0, 0)),
            pl.BlockSpec((1, D), lambda i: (0, 0)),
        ],
        out_specs=pl.BlockSpec((blk, D), lambda i: (i, 0)),
        out_shape=jax.ShapeDtypeStruct((N, D), jnp.float32),
    )(partials, norm, W, b2)


def kernel(h, norm, edge_index, W, b):
    hn = _scale(h, norm)
    src = edge_index[0]
    dst = edge_index[1]
    zeros = jnp.zeros((N, D), jnp.float32)
    partials = _sc_segment_sum(hn, src, dst, zeros)
    return _finish(partials, norm, W, b.reshape(1, D))

# --- scband reference (transcript-rebuilt; emitter-appended) ---
"""Pipeline reference for scband-gcnlayer-v2-52999896432940 (READ-ONLY COPY).

The authoritative reference and input builder live on the scoring server;
editing this copy changes nothing except your own understanding.
"""

import jax, jax.numpy as jnp
import numpy as np
import math

N = 10000
E = 320000
D_IN = 128
D_OUT = 128

def setup_inputs(seed: int = 0) -> dict:
    key = jax.random.key(seed)
    k1, k2, k3, k4, k5 = jax.random.split(key, 5)
    h = jax.random.normal(k1, (N, D_IN), dtype=jnp.float32)
    norm = jax.random.uniform(k2, (N, 1), dtype=jnp.float32)
    edge_index = jax.random.randint(k3, (2, E), 0, N, dtype=jnp.int32)
    stdv_w = 1.0 / math.sqrt(D_OUT)
    W = jax.random.uniform(k4, (D_IN, D_OUT), dtype=jnp.float32, minval=-stdv_w, maxval=stdv_w)
    stdv_b = 1.0 / math.sqrt(D_OUT)
    b = jax.random.uniform(k5, (D_OUT,), dtype=jnp.float32, minval=-stdv_b, maxval=stdv_b)
    return {"h": h, "norm": norm, "edge_index": edge_index, "W": W, "b": b}

def reference(h, norm, edge_index, W, b):
    # GCNLayer_V2 forward with aggr='mean' (non-median path), dropout=0.0.
    # message: m = h_src * norm_src
    # reduce:  accum = sum_over_neighbors(m) * norm_dst
    # apply:   out = relu(accum @ W + b)
    src = edge_index[0]
    dst = edge_index[1]
    hn = h * norm                       # [N, D] scaled source features
    msg = jnp.take(hn, src, axis=0)     # gather: [E, D]
    accum = jax.ops.segment_sum(msg, dst, num_segments=h.shape[0])  # scatter-add: [N, D]
    accum = accum * norm                # dst normalization
    out = accum @ W + b                 # NodeApplyModule_V2 linear
    out = jax.nn.relu(out)              # activation
    return out

if __name__ == "__main__":
    import jax
    _d = setup_inputs()
    print(jax.jit(kernel)(*tuple(_d.values())))

</pallas_src>

<mosaic_0001>
#map = affine_map<(d0, d1) -> (0, 0)>
#map1 = affine_map<(d0, d1) -> (0)>
#map2 = affine_map<(d0, d1) -> (0, 0, 0)>
module attributes {stable_mosaic.version = 14 : i64} {
  func.func @sc_kernel(%arg0: i32, %arg1: i32, %arg2: memref<10000x128xf32, #tpu.memory_space<hbm>>, %arg3: memref<320000xi32, #tpu.memory_space<hbm>>, %arg4: memref<320000xi32, #tpu.memory_space<hbm>>, %arg5: memref<10000x128xf32, #tpu.memory_space<hbm>>, %arg6: memref<2x10000x128xf32, #tpu.memory_space<hbm>>, %arg7: memref<128xi32, #tpu.memory_space<vmem>>, %arg8: memref<128xi32, #tpu.memory_space<vmem>>, %arg9: memref<128x128xf32, #tpu.memory_space<vmem>>, %arg10: memref<10000x128xf32, #tpu.memory_space<vmem_shared>>, %arg11: memref<!tpu.dma_semaphore, #tpu.memory_space<semaphore_mem>>) attributes {dimension_semantics = [#tpu.dimension_semantics<core_parallel>, #tpu.dimension_semantics<subcore_parallel>], iteration_bounds = array<i64: 2, 16>, scalar_prefetch = 0 : i64, scratch_operands = 5 : i64, tpu.core_type = #tpu.core_type<sc_vector_subcore>, window_params = [{transform_indices = #map}, {transform_indices = #map1}, {transform_indices = #map1}, {transform_indices = #map}, {transform_indices = #map2}]} {
    %mul3A = arith.constant 16 : i32
    %mul3A_0 = arith.muli %arg0, %mul3A : i32
    %add3A = arith.addi %mul3A_0, %arg1 : i32
    %lt3A = arith.constant 15 : i32
    %lt3A_1 = arith.cmpi slt, %arg1, %lt3A : i32
    %convert_element_type3A = arith.extui %lt3A_1 : i1 to i32
    %cond3A = arith.constant 0 : i32
    %cond3A_2 = arith.cmpi ne, %convert_element_type3A, %cond3A : i32
    scf.if %cond3A_2 {
      %mul3A_27 = arith.constant 640 : i32
      %mul3A_28 = arith.muli %arg1, %mul3A_27 : i32
      %mul3A_29 = arith.constant 640 : i32
      %mul3A_30 = arith.muli %arg1, %mul3A_29 : i32
      "tpu.region"() ({
        %run_scoped3A = tpu.sem_alloc : memref<!tpu.dma_semaphore, #tpu.memory_space<semaphore_mem>>
        %dma_start3A = arith.constant 0 : i32
        %dma_start3A_31 = tpu.memref_slice %arg10[%mul3A_30, %dma_start3A] : memref<10000x128xf32, #tpu.memory_space<vmem_shared>> -> memref<640x128xf32, #tpu.memory_space<vmem_shared>>
        %dma_start3A_32 = arith.constant 0 : i32
        %dma_start3A_33 = tpu.memref_slice %arg5[%mul3A_28, %dma_start3A_32] : memref<10000x128xf32, #tpu.memory_space<hbm>> -> memref<640x128xf32, #tpu.memory_space<hbm>>
        tpu.enqueue_dma source(%dma_start3A_33 : memref<640x128xf32, #tpu.memory_space<hbm>>) target(%dma_start3A_31 : memref<640x128xf32, #tpu.memory_space<vmem_shared>>) target_semaphore(%run_scoped3A : memref<!tpu.dma_semaphore, #tpu.memory_space<semaphore_mem>>)
        %dma_wait3A = arith.constant 0 : i32
        %dma_wait3A_34 = tpu.memref_slice %arg10[%mul3A_30, %dma_wait3A] : memref<10000x128xf32, #tpu.memory_space<vmem_shared>> -> memref<640x128xf32, #tpu.memory_space<vmem_shared>>
        %dma_wait3A_35 = arith.constant 0 : i32
        %dma_wait3A_36 = tpu.memref_slice %arg5[%mul3A_28, %dma_wait3A_35] : memref<10000x128xf32, #tpu.memory_space<hbm>> -> memref<640x128xf32, #tpu.memory_space<hbm>>
        tpu.wait_dma2 semaphore(%run_scoped3A : memref<!tpu.dma_semaphore, #tpu.memory_space<semaphore_mem>>) src(%dma_wait3A_36 : memref<640x128xf32, #tpu.memory_space<hbm>>) dst(%dma_wait3A_34 : memref<640x128xf32, #tpu.memory_space<vmem_shared>>)
        tpu.yield
      }) : () -> ()
    } else {
    }
    %eq3A = arith.constant 15 : i32
    %eq3A_3 = arith.cmpi eq, %arg1, %eq3A : i32
    %convert_element_type3A_4 = arith.extui %eq3A_3 : i1 to i32
    %cond3A_5 = arith.constant 0 : i32
    %cond3A_6 = arith.cmpi ne, %convert_element_type3A_4, %cond3A_5 : i32
    scf.if %cond3A_6 {
      "tpu.region"() ({
        %run_scoped3A = tpu.sem_alloc : memref<!tpu.dma_semaphore, #tpu.memory_space<semaphore_mem>>
        %dma_start3A = arith.constant 9600 : i32
        %dma_start3A_27 = arith.constant 0 : i32
        %dma_start3A_28 = tpu.memref_slice %arg10[%dma_start3A, %dma_start3A_27] : memref<10000x128xf32, #tpu.memory_space<vmem_shared>> -> memref<400x128xf32, #tpu.memory_space<vmem_shared>>
        %dma_start3A_29 = arith.constant 9600 : i32
        %dma_start3A_30 = arith.constant 0 : i32
        %dma_start3A_31 = tpu.memref_slice %arg5[%dma_start3A_29, %dma_start3A_30] : memref<10000x128xf32, #tpu.memory_space<hbm>> -> memref<400x128xf32, #tpu.memory_space<hbm>>
        tpu.enqueue_dma source(%dma_start3A_31 : memref<400x128xf32, #tpu.memory_space<hbm>>) target(%dma_start3A_28 : memref<400x128xf32, #tpu.memory_space<vmem_shared>>) target_semaphore(%run_scoped3A : memref<!tpu.dma_semaphore, #tpu.memory_space<semaphore_mem>>)
        %dma_wait3A = arith.constant 9600 : i32
        %dma_wait3A_32 = arith.constant 0 : i32
        %dma_wait3A_33 = tpu.memref_slice %arg10[%dma_wait3A, %dma_wait3A_32] : memref<10000x128xf32, #tpu.memory_space<vmem_shared>> -> memref<400x128xf32, #tpu.memory_space<vmem_shared>>
        %dma_wait3A_34 = arith.constant 9600 : i32
        %dma_wait3A_35 = arith.constant 0 : i32
        %dma_wait3A_36 = tpu.memref_slice %arg5[%dma_wait3A_34, %dma_wait3A_35] : memref<10000x128xf32, #tpu.memory_space<hbm>> -> memref<400x128xf32, #tpu.memory_space<hbm>>
        tpu.wait_dma2 semaphore(%run_scoped3A : memref<!tpu.dma_semaphore, #tpu.memory_space<semaphore_mem>>) src(%dma_wait3A_36 : memref<400x128xf32, #tpu.memory_space<hbm>>) dst(%dma_wait3A_33 : memref<400x128xf32, #tpu.memory_space<vmem_shared>>)
        tpu.yield
      }) : () -> ()
    } else {
    }
    %barrier3A = arith.constant 0 : index
    tpu.barrier barrier_id(%barrier3A)
    %scan3A = arith.constant 0 : i32
    %scan3A_7 = arith.constant 78 : i32
    %scan3A_8 = arith.addi %scan3A, %scan3A_7 : i32
    %scan3A_9 = arith.constant 1 : i32
    scf.for %scan3A_27 = %scan3A to %scan3A_8 step %scan3A_9  : i32 {
      %mul3A_28 = arith.constant 1 : i32
      %mul3A_29 = arith.muli %scan3A_27, %mul3A_28 : i32
      %add3A_30 = arith.constant 0 : i32
      %add3A_31 = arith.addi %add3A_30, %mul3A_29 : i32
      %mul3A_32 = arith.constant 32 : i32
      %mul3A_33 = arith.muli %mul3A_32, %add3A_31 : i32
      %add3A_34 = arith.addi %add3A, %mul3A_33 : i32
      %mul3A_35 = arith.constant 128 : i32
      %mul3A_36 = arith.muli %add3A_34, %mul3A_35 : i32
      "tpu.region"() ({
        %run_scoped3A = tpu.sem_alloc : memref<!tpu.dma_semaphore, #tpu.memory_space<semaphore_mem>>
        %dma_start3A_41 = tpu.memref_slice %arg3[%mul3A_36] : memref<320000xi32, #tpu.memory_space<hbm>> -> memref<128xi32, #tpu.memory_space<hbm>>
        %dma_start3A_42 = tpu.memref_slice %arg3[%mul3A_36] : memref<320000xi32, #tpu.memory_space<hbm>> -> memref<128xi32, #tpu.memory_space<hbm>>
        tpu.enqueue_dma source(%dma_start3A_42 : memref<128xi32, #tpu.memory_space<hbm>>) target(%arg7 : memref<128xi32, #tpu.memory_space<vmem>>) target_semaphore(%run_scoped3A : memref<!tpu.dma_semaphore, #tpu.memory_space<semaphore_mem>>)
        %dma_wait3A_43 = tpu.memref_slice %arg3[%mul3A_36] : memref<320000xi32, #tpu.memory_space<hbm>> -> memref<128xi32, #tpu.memory_space<hbm>>
        %dma_wait3A_44 = tpu.memref_slice %arg3[%mul3A_36] : memref<320000xi32, #tpu.memory_space<hbm>> -> memref<128xi32, #tpu.memory_space<hbm>>
        tpu.wait_dma2 semaphore(%run_scoped3A : memref<!tpu.dma_semaphore, #tpu.memory_space<semaphore_mem>>) src(%dma_wait3A_44 : memref<128xi32, #tpu.memory_space<hbm>>) dst(%arg7 : memref<128xi32, #tpu.memory_space<vmem>>)
        tpu.yield
      }) : () -> ()
      "tpu.region"() ({
        %run_scoped3A = tpu.sem_alloc : memref<!tpu.dma_semaphore, #tpu.memory_space<semaphore_mem>>
        %dma_start3A_41 = tpu.memref_slice %arg4[%mul3A_36] : memref<320000xi32, #tpu.memory_space<hbm>> -> memref<128xi32, #tpu.memory_space<hbm>>
        %dma_start3A_42 = tpu.memref_slice %arg4[%mul3A_36] : memref<320000xi32, #tpu.memory_space<hbm>> -> memref<128xi32, #tpu.memory_space<hbm>>
        tpu.enqueue_dma source(%dma_start3A_42 : memref<128xi32, #tpu.memory_space<hbm>>) target(%arg8 : memref<128xi32, #tpu.memory_space<vmem>>) target_semaphore(%run_scoped3A : memref<!tpu.dma_semaphore, #tpu.memory_space<semaphore_mem>>)
        %dma_wait3A_43 = tpu.memref_slice %arg4[%mul3A_36] : memref<320000xi32, #tpu.memory_space<hbm>> -> memref<128xi32, #tpu.memory_space<hbm>>
        %dma_wait3A_44 = tpu.memref_slice %arg4[%mul3A_36] : memref<320000xi32, #tpu.memory_space<hbm>> -> memref<128xi32, #tpu.memory_space<hbm>>
        tpu.wait_dma2 semaphore(%run_scoped3A : memref<!tpu.dma_semaphore, #tpu.memory_space<semaphore_mem>>) src(%dma_wait3A_44 : memref<128xi32, #tpu.memory_space<hbm>>) dst(%arg8 : memref<128xi32, #tpu.memory_space<vmem>>)
        tpu.yield
      }) : () -> ()
      %dma_start3A = arith.constant 0 : i32
      %dma_start3A_37 = arith.constant 0 : i32
      %dma_start3A_38 = tpu.memref_slice %arg2[%dma_start3A, %dma_start3A_37] : memref<10000x128xf32, #tpu.memory_space<hbm>> -> memref<10000x128xf32, #tpu.memory_space<hbm>>
      tpu.enqueue_indirect_dma source(%dma_start3A_38 : memref<10000x128xf32, #tpu.memory_space<hbm>>) target(%arg9 : memref<128x128xf32, #tpu.memory_space<vmem>>) offsets(%arg7 : memref<128xi32, #tpu.memory_space<vmem>>) semaphore(%arg11 : memref<!tpu.dma_semaphore, #tpu.memory_space<semaphore_mem>>)
      %dma_wait3A = arith.constant 0 : i32
      %dma_wait3A_39 = arith.constant 0 : i32
      %dma_wait3A_40 = tpu.memref_slice %arg2[%dma_wait3A, %dma_wait3A_39] : memref<10000x128xf32, #tpu.memory_space<hbm>> -> memref<10000x128xf32, #tpu.memory_space<hbm>>
      tpu.wait_indirect_dma semaphore(%arg11 : memref<!tpu.dma_semaphore, #tpu.memory_space<semaphore_mem>>) src(%dma_wait3A_40 : memref<10000x128xf32, #tpu.memory_space<hbm>>) dst(%arg9 : memref<128x128xf32, #tpu.memory_space<vmem>>)
      "tpu.region"() ({
        %run_scoped3A = tpu.sem_alloc : memref<!tpu.dma_semaphore, #tpu.memory_space<semaphore_mem>>
        %dma_start3A_41 = arith.constant 0 : i32
        %dma_start3A_42 = arith.constant 0 : i32
        %dma_start3A_43 = tpu.memref_slice %arg10[%dma_start3A_41, %dma_start3A_42] : memref<10000x128xf32, #tpu.memory_space<vmem_shared>> -> memref<10000x128xf32, #tpu.memory_space<vmem_shared>>
        tpu.enqueue_indirect_dma source(%arg9 : memref<128x128xf32, #tpu.memory_space<vmem>>) target(%dma_start3A_43 : memref<10000x128xf32, #tpu.memory_space<vmem_shared>>) offsets(%arg8 : memref<128xi32, #tpu.memory_space<vmem>>) semaphore(%run_scoped3A : memref<!tpu.dma_semaphore, #tpu.memory_space<semaphore_mem>>) {add = true}
        %dma_wait3A_44 = arith.constant 0 : i32
        %dma_wait3A_45 = arith.constant 0 : i32
        %dma_wait3A_46 = tpu.memref_slice %arg10[%dma_wait3A_44, %dma_wait3A_45] : memref<10000x128xf32, #tpu.memory_space<vmem_shared>> -> memref<10000x128xf32, #tpu.memory_space<vmem_shared>>
        tpu.wait_indirect_dma semaphore(%run_scoped3A : memref<!tpu.dma_semaphore, #tpu.memory_space<semaphore_mem>>) src(%arg9 : memref<128x128xf32, #tpu.memory_space<vmem>>) dst(%dma_wait3A_46 : memref<10000x128xf32, #tpu.memory_space<vmem_shared>>)
        tpu.yield
      }) : () -> ()
    }
    %scan3A_10 = arith.constant 78 : i32
    %lt3A_11 = arith.constant 4 : i32
    %lt3A_12 = arith.cmpi slt, %add3A, %lt3A_11 : i32
    %convert_element_type3A_13 = arith.extui %lt3A_12 : i1 to i32
    %cond3A_14 = arith.constant 0 : i32
    %cond3A_15 = arith.cmpi ne, %convert_element_type3A_13, %cond3A_14 : i32
    scf.if %cond3A_15 {
      %add3A_27 = arith.constant 2496 : i32
      %add3A_28 = arith.addi %add3A_27, %add3A : i32
      %mul3A_29 = arith.constant 128 : i32
      %mul3A_30 = arith.muli %add3A_28, %mul3A_29 : i32
      "tpu.region"() ({
        %run_scoped3A = tpu.sem_alloc : memref<!tpu.dma_semaphore, #tpu.memory_space<semaphore_mem>>
        %dma_start3A_35 = tpu.memref_slice %arg3[%mul3A_30] : memref<320000xi32, #tpu.memory_space<hbm>> -> memref<128xi32, #tpu.memory_space<hbm>>
        %dma_start3A_36 = tpu.memref_slice %arg3[%mul3A_30] : memref<320000xi32, #tpu.memory_space<hbm>> -> memref<128xi32, #tpu.memory_space<hbm>>
        tpu.enqueue_dma source(%dma_start3A_36 : memref<128xi32, #tpu.memory_space<hbm>>) target(%arg7 : memref<128xi32, #tpu.memory_space<vmem>>) target_semaphore(%run_scoped3A : memref<!tpu.dma_semaphore, #tpu.memory_space<semaphore_mem>>)
        %dma_wait3A_37 = tpu.memref_slice %arg3[%mul3A_30] : memref<320000xi32, #tpu.memory_space<hbm>> -> memref<128xi32, #tpu.memory_space<hbm>>
        %dma_wait3A_38 = tpu.memref_slice %arg3[%mul3A_30] : memref<320000xi32, #tpu.memory_space<hbm>> -> memref<128xi32, #tpu.memory_space<hbm>>
        tpu.wait_dma2 semaphore(%run_scoped3A : memref<!tpu.dma_semaphore, #tpu.memory_space<semaphore_mem>>) src(%dma_wait3A_38 : memref<128xi32, #tpu.memory_space<hbm>>) dst(%arg7 : memref<128xi32, #tpu.memory_space<vmem>>)
        tpu.yield
      }) : () -> ()
      "tpu.region"() ({
        %run_scoped3A = tpu.sem_alloc : memref<!tpu.dma_semaphore, #tpu.memory_space<semaphore_mem>>
        %dma_start3A_35 = tpu.memref_slice %arg4[%mul3A_30] : memref<320000xi32, #tpu.memory_space<hbm>> -> memref<128xi32, #tpu.memory_space<hbm>>
        %dma_start3A_36 = tpu.memref_slice %arg4[%mul3A_30] : memref<320000xi32, #tpu.memory_space<hbm>> -> memref<128xi32, #tpu.memory_space<hbm>>
        tpu.enqueue_dma source(%dma_start3A_36 : memref<128xi32, #tpu.memory_space<hbm>>) target(%arg8 : memref<128xi32, #tpu.memory_space<vmem>>) target_semaphore(%run_scoped3A : memref<!tpu.dma_semaphore, #tpu.memory_space<semaphore_mem>>)
        %dma_wait3A_37 = tpu.memref_slice %arg4[%mul3A_30] : memref<320000xi32, #tpu.memory_space<hbm>> -> memref<128xi32, #tpu.memory_space<hbm>>
        %dma_wait3A_38 = tpu.memref_slice %arg4[%mul3A_30] : memref<320000xi32, #tpu.memory_space<hbm>> -> memref<128xi32, #tpu.memory_space<hbm>>
        tpu.wait_dma2 semaphore(%run_scoped3A : memref<!tpu.dma_semaphore, #tpu.memory_space<semaphore_mem>>) src(%dma_wait3A_38 : memref<128xi32, #tpu.memory_space<hbm>>) dst(%arg8 : memref<128xi32, #tpu.memory_space<vmem>>)
        tpu.yield
      }) : () -> ()
      %dma_start3A = arith.constant 0 : i32
      %dma_start3A_31 = arith.constant 0 : i32
      %dma_start3A_32 = tpu.memref_slice %arg2[%dma_start3A, %dma_start3A_31] : memref<10000x128xf32, #tpu.memory_space<hbm>> -> memref<10000x128xf32, #tpu.memory_space<hbm>>
      tpu.enqueue_indirect_dma source(%dma_start3A_32 : memref<10000x128xf32, #tpu.memory_space<hbm>>) target(%arg9 : memref<128x128xf32, #tpu.memory_space<vmem>>) offsets(%arg7 : memref<128xi32, #tpu.memory_space<vmem>>) semaphore(%arg11 : memref<!tpu.dma_semaphore, #tpu.memory_space<semaphore_mem>>)
      %dma_wait3A = arith.constant 0 : i32
      %dma_wait3A_33 = arith.constant 0 : i32
      %dma_wait3A_34 = tpu.memref_slice %arg2[%dma_wait3A, %dma_wait3A_33] : memref<10000x128xf32, #tpu.memory_space<hbm>> -> memref<10000x128xf32, #tpu.memory_space<hbm>>
      tpu.wait_indirect_dma semaphore(%arg11 : memref<!tpu.dma_semaphore, #tpu.memory_space<semaphore_mem>>) src(%dma_wait3A_34 : memref<10000x128xf32, #tpu.memory_space<hbm>>) dst(%arg9 : memref<128x128xf32, #tpu.memory_space<vmem>>)
      "tpu.region"() ({
        %run_scoped3A = tpu.sem_alloc : memref<!tpu.dma_semaphore, #tpu.memory_space<semaphore_mem>>
        %dma_start3A_35 = arith.constant 0 : i32
        %dma_start3A_36 = arith.constant 0 : i32
        %dma_start3A_37 = tpu.memref_slice %arg10[%dma_start3A_35, %dma_start3A_36] : memref<10000x128xf32, #tpu.memory_space<vmem_shared>> -> memref<10000x128xf32, #tpu.memory_space<vmem_shared>>
        tpu.enqueue_indirect_dma source(%arg9 : memref<128x128xf32, #tpu.memory_space<vmem>>) target(%dma_start3A_37 : memref<10000x128xf32, #tpu.memory_space<vmem_shared>>) offsets(%arg8 : memref<128xi32, #tpu.memory_space<vmem>>) semaphore(%run_scoped3A : memref<!tpu.dma_semaphore, #tpu.memory_space<semaphore_mem>>) {add = true}
        %dma_wait3A_38 = arith.constant 0 : i32
        %dma_wait3A_39 = arith.constant 0 : i32
        %dma_wait3A_40 = tpu.memref_slice %arg10[%dma_wait3A_38, %dma_wait3A_39] : memref<10000x128xf32, #tpu.memory_space<vmem_shared>> -> memref<10000x128xf32, #tpu.memory_space<vmem_shared>>
        tpu.wait_indirect_dma semaphore(%run_scoped3A : memref<!tpu.dma_semaphore, #tpu.memory_space<semaphore_mem>>) src(%arg9 : memref<128x128xf32, #tpu.memory_space<vmem>>) dst(%dma_wait3A_40 : memref<10000x128xf32, #tpu.memory_space<vmem_shared>>)
        tpu.yield
      }) : () -> ()
    } else {
    }
    %barrier3A_16 = arith.constant 0 : index
    tpu.barrier barrier_id(%barrier3A_16)
    %lt3A_17 = arith.constant 15 : i32
    %lt3A_18 = arith.cmpi slt, %arg1, %lt3A_17 : i32
    %convert_element_type3A_19 = arith.extui %lt3A_18 : i1 to i32
    %cond3A_20 = arith.constant 0 : i32
    %cond3A_21 = arith.cmpi ne, %convert_element_type3A_19, %cond3A_20 : i32
    scf.if %cond3A_21 {
      %mul3A_27 = arith.constant 640 : i32
      %mul3A_28 = arith.muli %arg1, %mul3A_27 : i32
      %mul3A_29 = arith.constant 640 : i32
      %mul3A_30 = arith.muli %arg1, %mul3A_29 : i32
      "tpu.region"() ({
        %run_scoped3A = tpu.sem_alloc : memref<!tpu.dma_semaphore, #tpu.memory_space<semaphore_mem>>
        %dma_start3A = arith.constant 0 : i32
        %dma_start3A_31 = arith.constant 0 : i32
        %dma_start3A_32 = tpu.memref_slice %arg6[%arg0, %dma_start3A, %dma_start3A_31] : memref<2x10000x128xf32, #tpu.memory_space<hbm>> -> memref<1x10000x128xf32, #tpu.memory_space<hbm>>
        %dma_start3A_33 = tpu.memref_squeeze %dma_start3A_32 : memref<1x10000x128xf32, #tpu.memory_space<hbm>> -> memref<10000x128xf32, #tpu.memory_space<hbm>>
        %dma_start3A_34 = arith.constant 0 : i32
        %dma_start3A_35 = tpu.memref_slice %dma_start3A_33[%mul3A_30, %dma_start3A_34] : memref<10000x128xf32, #tpu.memory_space<hbm>> -> memref<640x128xf32, #tpu.memory_space<hbm>>
        %dma_start3A_36 = arith.constant 0 : i32
        %dma_start3A_37 = tpu.memref_slice %arg10[%mul3A_28, %dma_start3A_36] : memref<10000x128xf32, #tpu.memory_space<vmem_shared>> -> memref<640x128xf32, #tpu.memory_space<vmem_shared>>
        tpu.enqueue_dma source(%dma_start3A_37 : memref<640x128xf32, #tpu.memory_space<vmem_shared>>) target(%dma_start3A_35 : memref<640x128xf32, #tpu.memory_space<hbm>>) target_semaphore(%run_scoped3A : memref<!tpu.dma_semaphore, #tpu.memory_space<semaphore_mem>>)
        %dma_wait3A = arith.constant 0 : i32
        %dma_wait3A_38 = arith.constant 0 : i32
        %dma_wait3A_39 = tpu.memref_slice %arg6[%arg0, %dma_wait3A, %dma_wait3A_38] : memref<2x10000x128xf32, #tpu.memory_space<hbm>> -> memref<1x10000x128xf32, #tpu.memory_space<hbm>>
        %dma_wait3A_40 = tpu.memref_squeeze %dma_wait3A_39 : memref<1x10000x128xf32, #tpu.memory_space<hbm>> -> memref<10000x128xf32, #tpu.memory_space<hbm>>
        %dma_wait3A_41 = arith.constant 0 : i32
        %dma_wait3A_42 = tpu.memref_slice %dma_wait3A_40[%mul3A_30, %dma_wait3A_41] : memref<10000x128xf32, #tpu.memory_space<hbm>> -> memref<640x128xf32, #tpu.memory_space<hbm>>
        %dma_wait3A_43 = arith.constant 0 : i32
        %dma_wait3A_44 = tpu.memref_slice %arg10[%mul3A_28, %dma_wait3A_43] : memref<10000x128xf32, #tpu.memory_space<vmem_shared>> -> memref<640x128xf32, #tpu.memory_space<vmem_shared>>
        tpu.wait_dma2 semaphore(%run_scoped3A : memref<!tpu.dma_semaphore, #tpu.memory_space<semaphore_mem>>) src(%dma_wait3A_44 : memref<640x128xf32, #tpu.memory_space<vmem_shared>>) dst(%dma_wait3A_42 : memref<640x128xf32, #tpu.memory_space<hbm>>)
        tpu.yield
      }) : () -> ()
    } else {
    }
    %eq3A_22 = arith.constant 15 : i32
    %eq3A_23 = arith.cmpi eq, %arg1, %eq3A_22 : i32
    %convert_element_type3A_24 = arith.extui %eq3A_23 : i1 to i32
    %cond3A_25 = arith.constant 0 : i32
    %cond3A_26 = arith.cmpi ne, %convert_element_type3A_24, %cond3A_25 : i32
    scf.if %cond3A_26 {
      "tpu.region"() ({
        %run_scoped3A = tpu.sem_alloc : memref<!tpu.dma_semaphore, #tpu.memory_space<semaphore_mem>>
        %dma_start3A = arith.constant 0 : i32
        %dma_start3A_27 = arith.constant 0 : i32
        %dma_start3A_28 = tpu.memref_slice %arg6[%arg0, %dma_start3A, %dma_start3A_27] : memref<2x10000x128xf32, #tpu.memory_space<hbm>> -> memref<1x10000x128xf32, #tpu.memory_space<hbm>>
        %dma_start3A_29 = tpu.memref_squeeze %dma_start3A_28 : memref<1x10000x128xf32, #tpu.memory_space<hbm>> -> memref<10000x128xf32, #tpu.memory_space<hbm>>
        %dma_start3A_30 = arith.constant 9600 : i32
        %dma_start3A_31 = arith.constant 0 : i32
        %dma_start3A_32 = tpu.memref_slice %dma_start3A_29[%dma_start3A_30, %dma_start3A_31] : memref<10000x128xf32, #tpu.memory_space<hbm>> -> memref<400x128xf32, #tpu.memory_space<hbm>>
        %dma_start3A_33 = arith.constant 9600 : i32
        %dma_start3A_34 = arith.constant 0 : i32
        %dma_start3A_35 = tpu.memref_slice %arg10[%dma_start3A_33, %dma_start3A_34] : memref<10000x128xf32, #tpu.memory_space<vmem_shared>> -> memref<400x128xf32, #tpu.memory_space<vmem_shared>>
        tpu.enqueue_dma source(%dma_start3A_35 : memref<400x128xf32, #tpu.memory_space<vmem_shared>>) target(%dma_start3A_32 : memref<400x128xf32, #tpu.memory_space<hbm>>) target_semaphore(%run_scoped3A : memref<!tpu.dma_semaphore, #tpu.memory_space<semaphore_mem>>)
        %dma_wait3A = arith.constant 0 : i32
        %dma_wait3A_36 = arith.constant 0 : i32
        %dma_wait3A_37 = tpu.memref_slice %arg6[%arg0, %dma_wait3A, %dma_wait3A_36] : memref<2x10000x128xf32, #tpu.memory_space<hbm>> -> memref<1x10000x128xf32, #tpu.memory_space<hbm>>
        %dma_wait3A_38 = tpu.memref_squeeze %dma_wait3A_37 : memref<1x10000x128xf32, #tpu.memory_space<hbm>> -> memref<10000x128xf32, #tpu.memory_space<hbm>>
        %dma_wait3A_39 = arith.constant 9600 : i32
        %dma_wait3A_40 = arith.constant 0 : i32
        %dma_wait3A_41 = tpu.memref_slice %dma_wait3A_38[%dma_wait3A_39, %dma_wait3A_40] : memref<10000x128xf32, #tpu.memory_space<hbm>> -> memref<400x128xf32, #tpu.memory_space<hbm>>
        %dma_wait3A_42 = arith.constant 9600 : i32
        %dma_wait3A_43 = arith.constant 0 : i32
        %dma_wait3A_44 = tpu.memref_slice %arg10[%dma_wait3A_42, %dma_wait3A_43] : memref<10000x128xf32, #tpu.memory_space<vmem_shared>> -> memref<400x128xf32, #tpu.memory_space<vmem_shared>>
        tpu.wait_dma2 semaphore(%run_scoped3A : memref<!tpu.dma_semaphore, #tpu.memory_space<semaphore_mem>>) src(%dma_wait3A_44 : memref<400x128xf32, #tpu.memory_space<vmem_shared>>) dst(%dma_wait3A_41 : memref<400x128xf32, #tpu.memory_space<hbm>>)
        tpu.yield
      }) : () -> ()
    } else {
    }
    return
  }
}

module attributes {stable_mosaic.version = 14 : i64} {
  func.func @_scale_body(%arg0: i32, %arg1: memref<2000x128xf32, #tpu.memory_space<vmem>>, %arg2: memref<2000x1xf32, #tpu.memory_space<vmem>>, %arg3: memref<2000x128xf32, #tpu.memory_space<vmem>>) attributes {dimension_semantics = [#tpu.dimension_semantics<arbitrary>], iteration_bounds = array<i64: 5>, scalar_prefetch = 0 : i64, scratch_operands = 0 : i64, tpu.core_type = #tpu.core_type<tc>, window_params = [{transform_indices = @transform_0, window_bounds = array<i64: 2000, 128>}, {transform_indices = @transform_1, window_bounds = array<i64: 2000, 1>}, {transform_indices = @transform_2, window_bounds = array<i64: 2000, 128>}]} {
    %get3A = arith.constant 0 : index
    %get3A_0 = arith.constant 0 : index
    %get3A_1 = vector.load %arg1[%get3A, %get3A_0] : memref<2000x128xf32, #tpu.memory_space<vmem>>, vector<2000x128xf32>
    %get3A_2 = arith.constant 0 : index
    %get3A_3 = arith.constant 0 : index
    %get3A_4 = vector.load %arg2[%get3A_2, %get3A_3] : memref<2000x1xf32, #tpu.memory_space<vmem>>, vector<2000x1xf32>
    %mul3A = vector.broadcast %get3A_4 : vector<2000x1xf32> to vector<2000x128xf32>
    %mul3A_5 = arith.mulf %get3A_1, %mul3A : vector<2000x128xf32>
    %swap3A = arith.constant 0 : index
    %swap3A_6 = arith.constant 0 : index
    %swap3A_7 = vector.load %arg3[%swap3A, %swap3A_6] : memref<2000x128xf32, #tpu.memory_space<vmem>>, vector<2000x128xf32>
    tpu.vector_store %arg3[%swap3A, %swap3A_6], %mul3A_5 {strides = array<i32>} : memref<2000x128xf32, #tpu.memory_space<vmem>>, vector<2000x128xf32>,
    return
  }
  func.func @transform_0(%arg0: i32) -> (i32, i32) {
    %c0_i32 = arith.constant 0 : i32
    %c0_i32_0 = arith.constant 0 : i32
    return %arg0, %c0_i32 : i32, i32
  }
  func.func @transform_1(%arg0: i32) -> (i32, i32) {
    %c0_i32 = arith.constant 0 : i32
    %c0_i32_0 = arith.constant 0 : i32
    return %arg0, %c0_i32 : i32, i32
  }
  func.func @transform_2(%arg0: i32) -> (i32, i32) {
    %c0_i32 = arith.constant 0 : i32
    %c0_i32_0 = arith.constant 0 : i32
    return %arg0, %c0_i32 : i32, i32
  }
}

module attributes {stable_mosaic.version = 14 : i64} {
  func.func @_finish_body(%arg0: i32, %arg1: memref<2x1000x128xf32, #tpu.memory_space<vmem>>, %arg2: memref<1000x1xf32, #tpu.memory_space<vmem>>, %arg3: memref<128x128xf32, #tpu.memory_space<vmem>>, %arg4: memref<1x128xf32, #tpu.memory_space<vmem>>, %arg5: memref<1000x128xf32, #tpu.memory_space<vmem>>) attributes {dimension_semantics = [#tpu.dimension_semantics<arbitrary>], iteration_bounds = array<i64: 10>, scalar_prefetch = 0 : i64, scratch_operands = 0 : i64, tpu.core_type = #tpu.core_type<tc>, window_params = [{transform_indices = @transform_0, window_bounds = array<i64: 2, 1000, 128>}, {transform_indices = @transform_1, window_bounds = array<i64: 1000, 1>}, {pipeline_mode = #tpu.pipeline_mode<synchronous>, transform_indices = @transform_2, window_bounds = array<i64: 128, 128>}, {pipeline_mode = #tpu.pipeline_mode<synchronous>, transform_indices = @transform_3, window_bounds = array<i64: 1, 128>}, {transform_indices = @transform_4, window_bounds = array<i64: 1000, 128>}]} {
    %get3A = arith.constant 0 : index
    %get3A_0 = arith.constant 0 : index
    %get3A_1 = arith.constant 0 : index
    %get3A_2 = vector.load %arg1[%get3A, %get3A_0, %get3A_1] : memref<2x1000x128xf32, #tpu.memory_space<vmem>>, vector<1x1000x128xf32>
    %get3A_3 = vector.shape_cast %get3A_2 : vector<1x1000x128xf32> to vector<1000x128xf32>
    %get3A_4 = arith.constant 1 : index
    %get3A_5 = arith.constant 0 : index
    %get3A_6 = arith.constant 0 : index
    %get3A_7 = vector.load %arg1[%get3A_4, %get3A_5, %get3A_6] : memref<2x1000x128xf32, #tpu.memory_space<vmem>>, vector<1x1000x128xf32>
    %get3A_8 = vector.shape_cast %get3A_7 : vector<1x1000x128xf32> to vector<1000x128xf32>
    %add3A = arith.addf %get3A_3, %get3A_8 : vector<1000x128xf32>
    %get3A_9 = arith.constant 0 : index
    %get3A_10 = arith.constant 0 : index
    %get3A_11 = vector.load %arg2[%get3A_9, %get3A_10] : memref<1000x1xf32, #tpu.memory_space<vmem>>, vector<1000x1xf32>
    %mul3A = vector.broadcast %get3A_11 : vector<1000x1xf32> to vector<1000x128xf32>
    %mul3A_12 = arith.mulf %add3A, %mul3A : vector<1000x128xf32>
    %get3A_13 = arith.constant 0 : index
    %get3A_14 = arith.constant 0 : index
    %get3A_15 = vector.load %arg3[%get3A_13, %get3A_14] : memref<128x128xf32, #tpu.memory_space<vmem>>, vector<128x128xf32>
    %dot_general3A = arith.constant dense<0.000000e+00> : vector<1000x128xf32>
    %dot_general3A_16 = tpu.matmul %mul3A_12, %get3A_15, %dot_general3A {dimension_numbers = #tpu.dot_dimension_numbers<[1], [0], [0], [1], [0, 0, 1, 1], [], []>, transpose_lhs_hint = false} : vector<1000x128xf32>, vector<128x128xf32>, vector<1000x128xf32> -> vector<1000x128xf32>
    %get3A_17 = arith.constant 0 : index
    %get3A_18 = arith.constant 0 : index
    %get3A_19 = vector.load %arg4[%get3A_17, %get3A_18] : memref<1x128xf32, #tpu.memory_space<vmem>>, vector<1x128xf32>
    %add3A_20 = vector.broadcast %get3A_19 : vector<1x128xf32> to vector<1000x128xf32>
    %add3A_21 = arith.addf %dot_general3A_16, %add3A_20 : vector<1000x128xf32>
    %max3A = arith.constant 0.000000e+00 : f32
    %max3A_22 = vector.broadcast %max3A : f32 to vector<1000x128xf32>
    %max3A_23 = arith.maximumf %add3A_21, %max3A_22 : vector<1000x128xf32>
    %swap3A = arith.constant 0 : index
    %swap3A_24 = arith.constant 0 : index
    %swap3A_25 = vector.load %arg5[%swap3A, %swap3A_24] : memref<1000x128xf32, #tpu.memory_space<vmem>>, vector<1000x128xf32>
    tpu.vector_store %arg5[%swap3A, %swap3A_24], %max3A_23 {strides = array<i32>} : memref<1000x128xf32, #tpu.memory_space<vmem>>, vector<1000x128xf32>,
    return
  }
  func.func @transform_0(%arg0: i32) -> (i32, i32, i32) {
    %c0_i32 = arith.constant 0 : i32
    %c0_i32_0 = arith.constant 0 : i32
    %c0_i32_1 = arith.constant 0 : i32
    return %c0_i32, %arg0, %c0_i32_0 : i32, i32, i32
  }
  func.func @transform_1(%arg0: i32) -> (i32, i32) {
    %c0_i32 = arith.constant 0 : i32
    %c0_i32_0 = arith.constant 0 : i32
    return %arg0, %c0_i32 : i32, i32
  }
  func.func @transform_2(%arg0: i32) -> (i32, i32) {
    %c0_i32 = arith.constant 0 : i32
    %c0_i32_0 = arith.constant 0 : i32
    %c0_i32_1 = arith.constant 0 : i32
    return %c0_i32, %c0_i32_0 : i32, i32
  }
  func.func @transform_3(%arg0: i32) -> (i32, i32) {
    %c0_i32 = arith.constant 0 : i32
    %c0_i32_0 = arith.constant 0 : i32
    %c0_i32_1 = arith.constant 0 : i32
    return %c0_i32, %c0_i32_0 : i32, i32
  }
  func.func @transform_4(%arg0: i32) -> (i32, i32) {
    %c0_i32 = arith.constant 0 : i32
    %c0_i32_0 = arith.constant 0 : i32
    return %arg0, %c0_i32 : i32, i32
  }
}

</mosaic_0001>

<sc_bundles>
// kernel: kernel.5.cloned.1.call-start
scs
__scs_entry_jumppad:
0x0: {  	(pc) =	sbr.rel $0x88, $3  }
0x1: {  	(tag) =	ssettag $0x0;
	lr =	simm.s32 $0x1  }
0x2: {  	[smem:$0x3F9C] =	sst lr;
	_ =	strace $0xD0000000  }
0x3: {  	_ = 	snop  }
0x4: {  	_ = 	snop  }
0x5: {  	_ = 	snop  }
0x6: {  	_ = 	snop  }
0x7: {  	_ = 	snop  }
__scs_overlays_trampoline_lowered:
0x8: {  	[smem:$0x3FAB] =	sst s0  }
0x9: {  	[smem:$0x3FAC] =	sst s1  }
0xa: {  	[smem:$0x3FAD] =	sst s2  }
0xb: {  	[smem:$0x3FAE] =	sst s3  }
0xc: {  	[smem:$0x3FAF] =	sst s4  }
0xd: {  	[smem:$0x3FB0] =	sst s5  }
0xe: {  	[smem:$0x3FB1] =	sst s6  }
0xf: {  	[smem:$0x3FB2] =	sst s7  }
0x10: {  	[smem:$0x3FB3] =	sst s8  }
0x11: {  	[smem:$0x3FB4] =	sst s9;
	s0 =	simm.s32 @!p0 $0x0  }
0x12: {  	s1 =	sld [smem:$0x3F9A];
	s0 =	simm.s32 @p0 $0x1  }
0x13: {  	[smem:$0x3FB5] =	sst s0;
	s0 =	simm.s32 @!p1 $0x0  }
0x14: {  	s2 =	sld [smem:$0x3F99];
	s0 =	simm.s32 @p1 $0x1  }
0x15: {  	[smem:$0x3FB6] =	sst s0;
	s0 =	simm.s32 @!p2 $0x0  }
0x16: {  	s3 =	sld [smem:$0x3FDB];
	s0 =	simm.s32 @p2 $0x1  }
0x17: {  	s4 =	simm.s32 $0x1BF5;
	[smem:$0x3FB8] =	sst s0  }
0x18: {  	s0 =	sld [smem:$0x3F9B];
	_ =	swait.ge [sflag:s4], $0x0  }
0x19: {  	s7 =	sld [smem:$0x3F9C]  }
0x1a: {  	s8 =	sadd.s32 $0xFFFFE003, lr  }
0x1b: {  	s9 =	sadd.s32 $0xFFFFFEF7, lr;
	s5 =	simm.s32 $0xFFFFFFFF;
	p2 =	slt.u32 s8, $0xFFFFF086  }
0x1c: {  	p1 =	slt.u32 s9, $0xF7A;
	s5 =	simm.s32 @!p2 $0x0  }
0x1d: {  	s5 =	simm.s32 @p1 $0x1;
	p0 =	seq.s32 s7, s2  }
0x1e: {  	s7 =	smul.u32 @!p0 $0xF7A, s2;
	p2 =	seq.s32 @!p0 s5, $0x0  }
0x1f: {  	s9 =	smul.u32 $0xF7A, s1;
	s8 =	simm.s32 @!p0 $0x1BF5;
	p2 =	por !p2, p0  }
0x20: {  	[sflag:s8] =	ssyncset.s32 @!p0 $0xFFFFF086;
	s6 =	sadd.s32 @!p0 s3, s7;
	s7 =	simm.s32 @!p0 $0x108  }
0x21: {  	s3 =	sadd.s32 s3, s9;
	s6 =	sadd.s32 @!p0 $0x88, s6;
	s7 =	simm.s32 @p2 $0x1082  }
0x22: {  	[simem:s7], [sflag:s8] =	dma.local @!p0 [hbm:s6], $0xF7A  }
0x23: {  	s9 =	sor.u32 $0xD0000000, s2;
	s6 =	simm.s32 $0x108;
	_ =	swait.ge @!p0 [sflag:s8], $0x0  }
0x24: {  	s3 =	sadd.s32 $0x88, s3;
	s6 =	simm.s32 @!p1 $0x1082;
	[sflag:s4] =	ssyncset.s32 $0xFFFFF086  }
0x25: {  	[simem:s6], [sflag:s4] =	dma.local [hbm:s3], $0xF7A  }
0x26: {  	[smem:$0x3F9C] =	sst s1;
	(tag) =	ssettag s2;
	_ =	strace s9  }
0x27: {  	s1 =	sld [smem:$0x3FAC]  }
0x28: {  	s2 =	sld [smem:$0x3FAD]  }
0x29: {  	s4 =	sld [smem:$0x3FAF]  }
0x2a: {  	p0 =	seq.s32 s5, $0x0;
	s5 =	sld [smem:$0x3FB0]  }
0x2b: {  	s6 =	sld [smem:$0x3FB1]  }
0x2c: {  	s7 =	sld [smem:$0x3FB2]  }
0x2d: {  	s3 =	simm.s32 $0x108;
	s8 =	sld [smem:$0x3FB3]  }
0x2e: {  	s3 =	simm.s32 @!p0 $0x1082;
	s9 =	sld [smem:$0x3FB4]  }
0x2f: {  	lr =	sadd.s32 s0, s3;
	s0 =	sld [smem:$0x3FAB]  }
0x30: {  	s3 =	sld [smem:$0x3FAE]  }
0x31: {  	[smem:$0x3FB7] =	sst s10  }
0x32: {  	s10 =	sld [smem:$0x3FB5];
	_ =	sdelay $0x3  }
0x33: {  	p0 =	seq.s32 s10, $0x1;
	s10 =	sld [smem:$0x3FB7];
	_ =	sdelay $0x3  }
0x34: {  	[smem:$0x3FB7] =	sst s10  }
0x35: {  	s10 =	sld [smem:$0x3FB6];
	_ =	sdelay $0x3  }
0x36: {  	p1 =	seq.s32 s10, $0x1;
	s10 =	sld [smem:$0x3FB7];
	_ =	sdelay $0x3  }
0x37: {  	[smem:$0x3FB7] =	sst s10  }
0x38: {  	s10 =	sld [smem:$0x3FB8]  }
0x39: {  	_ = 	snop;
	(pc) =	sbr.ind lr, $3  }
0x3a: {  	_ = 	snop  }
0x3b: {  	_ = 	snop  }
0x3c: {  	p2 =	seq.s32 s10, $0x1;
	s10 =	sld [smem:$0x3FB7]  }
0x3d: {  	_ =	shalt  }
0x3e: {  	_ =	shalt  }
0x3f: {  	_ =	shalt  }
0x40: {  	_ =	shalt  }
0x41: {  	_ =	shalt  }
0x42: {  	_ =	shalt  }
0x43: {  	_ =	shalt  }
0x44: {  	_ =	shalt  }
0x45: {  	_ =	shalt  }
0x46: {  	_ =	shalt  }
0x47: {  	_ =	shalt  }
0x48: {  	_ =	shalt  }
0x49: {  	_ =	shalt  }
0x4a: {  	_ =	shalt  }
0x4b: {  	_ =	shalt  }
0x4c: {  	_ =	shalt  }
0x4d: {  	_ =	shalt  }
0x4e: {  	_ =	shalt  }
0x4f: {  	_ =	shalt  }
0x50: {  	_ =	shalt  }
0x51: {  	_ =	shalt  }
0x52: {  	_ =	shalt  }
0x53: {  	_ =	shalt  }
0x54: {  	_ =	shalt  }
0x55: {  	_ =	shalt  }
0x56: {  	_ =	shalt  }
0x57: {  	_ =	shalt  }
0x58: {  	_ =	shalt  }
0x59: {  	_ =	shalt  }
0x5a: {  	_ =	shalt  }
0x5b: {  	_ =	shalt  }
0x5c: {  	_ =	shalt  }
0x5d: {  	_ =	shalt  }
0x5e: {  	_ =	shalt  }
0x5f: {  	_ =	shalt  }
0x60: {  	_ =	shalt  }
0x61: {  	_ =	shalt  }
0x62: {  	_ =	shalt  }
0x63: {  	_ =	shalt  }
0x64: {  	_ =	shalt  }
0x65: {  	_ =	shalt  }
0x66: {  	_ =	shalt  }
0x67: {  	_ =	shalt  }
0x68: {  	_ =	shalt  }
0x69: {  	_ =	shalt  }
0x6a: {  	_ =	shalt  }
0x6b: {  	_ =	shalt  }
0x6c: {  	_ =	shalt  }
0x6d: {  	_ =	shalt  }
0x6e: {  	_ =	shalt  }
0x6f: {  	_ =	shalt  }
0x70: {  	_ =	shalt  }
0x71: {  	_ =	shalt  }
0x72: {  	_ =	shalt  }
0x73: {  	_ =	shalt  }
0x74: {  	_ =	shalt  }
0x75: {  	_ =	shalt  }
0x76: {  	_ =	shalt  }
0x77: {  	_ =	shalt  }
0x78: {  	_ =	shalt  }
0x79: {  	_ =	shalt  }
0x7a: {  	_ =	shalt  }
0x7b: {  	_ =	shalt  }
0x7c: {  	_ =	shalt  }
0x7d: {  	_ =	shalt  }
0x7e: {  	_ =	shalt  }
0x7f: {  	_ =	shalt  }
0x80: {  	_ =	shalt  }
0x81: {  	_ =	shalt  }
0x82: {  	_ =	shalt  }
0x83: {  	_ =	shalt  }
0x84: {  	_ =	shalt  }
0x85: {  	_ =	shalt  }
0x86: {  	_ =	shalt  }
0x87: {  	_ =	shalt  }
.Lfunc_end0:
.L_simem_size_0:
called_computation_lowered:
.L_overlay_start_0:
0x88: {  	s2 =	sld [smem:$0x3FD9]  }
0x89: {  	s3 =	sld [smem:$0x3FFE];
	_ =	sdelay $0x1  }
0x8a: {  	s1 =	srdreg.scid  }
0x8b: {  	s0 =	sand.u32 $0x1, s1  }
0x8c: {  	s17 =	sshll.u32 s0, $0xA;
	s2 =	sadd.s32 s3, s2  }
0x8d: {  	s2 =	sadd.s32 s2, s17  }
0x8e: {  	[smem:$0x3FC3] =	sst s2  }
0x8f: {  	_ = 	snop  }
0x90: {  	s2 =	sld [smem:$0x3FD0];
	(tm) =	ssettm $0x1  }
0x91: {  	s18 =	sld [smem:$0x3FFB];
	_ =	sdelay $0x3  }
0x92: {  	_ =	strace s18  }
0x93: {  	s3 =	sld [smem:$0x3FFC];
	_ =	sdelay $0x3  }
0x94: {  	_ =	strace s3  }
0x95: {  	s3 =	sld [smem:$0x3FFD];
	_ =	sdelay $0x3  }
0x96: {  	_ =	strace s3  }
0x97: {  	_ =	strace $0x8FFFFFFF  }
0x98: {  	s19 =	sld [smem:$0x3FDB];
	_ =	sdelay $0x1  }
0x99: {  	s4 =	simm.s32 $_scs_section_size  }
0x9a: {  	s5 =	simm.s32 $_size__tile_overlayer_lowered;
	s6 =	simm.s32 $_tile_overlayer_lowered  }
0x9b: {  	s22 =	simm.s32 $0x1BFF;
	s21 =	sshll.u32 s6, $0x1;
	s3 =	sadd.s32 s4, s19  }
0x9c: {  	s7 =	simm.s32 $0x0;
	s20 =	sshll.u32 s5, $0x1;
	s5 =	sadd.s32 s21, s3  }
0x9d: {  	[timem:s7], [sflag:s22] =	dma.local [hbm:s5], s20  }
0x9e: {  	_ =	swait.ge [sflag:s22], s20  }
0x9f: {  	s4 =	ssub.s32 $0x0, s20;
	[sflag:s22] =	ssyncset.done $0x0  }
0xa0: {  	[sflag:s22] =	ssyncadd.s32 s4;
	_ =	sdelay $0x1  }
0xa1: {  	s23 =	simm.s32 $0x1B8B  }
0xa2: {  	_ =	swait.ge [sflag:s23], $0x1  }
0xa3: {  	[sflag:s23] =	ssyncset.done $0x0  }
0xa4: {  	s25 =	simm.s32 $0x1B8E;
	s24 =	sld [smem:$0x3FFE];
	[sflag:s23] =	ssyncadd.s32 $0xFFFFFFFF  }
0xa5: {  	s26 =	simm.s32 $execute0_lowered;
	[smem:$0x3FD2] =	sst s25  }
0xa6: {  	s5 =	sshll.u32 s26, $0x1;
	_ =	strace $0x80000046;
	[dreg:$0x1] =	wrdreg $0xFFFFFFFF  }
0xa7: {  	s28 =	simm.s32 $_size_execute0_lowered;
	s3 =	sadd.s32 s3, s5;
	[dreg:$0x0] =	wrdreg $0x0  }
0xa8: {  	s5 =	sshll.u32 s28, $0x1;
	[dreg:$0x2] =	wrdreg s3  }
0xa9: {  	[dreg:$0x3] =	wrdreg s5  }
0xaa: {  	[dreg:$0x4] =	wrdreg $0xC0  }
0xab: {  	_ =	task [dreg:s7], $0x5FFFF  }
0xac: {  	[dreg:$0x1] =	wrdreg $0xFFFFFFFF  }
0xad: {  	[dreg:$0x0] =	wrdreg $0x60  }
0xae: {  	[dreg:$0x2] =	wrdreg s2  }
0xaf: {  	[dreg:$0x3] =	wrdreg s24  }
0xb0: {  	[dreg:$0x4] =	wrdreg $0x41000  }
0xb1: {  	[dreg:$0x5] =	wrdreg $0x9  }
0xb2: {  	_ =	task.clear_ibuf [dreg:s7], $0x6FFFF;
	_ =	strace $0x90000046  }
0xb3: {  	s29 =	simm.s32 $0x9;
	_ =	strace $0x80000048  }
0xb4: {  	_ =	swait.ge [sflag:s29], $0x1  }
0xb5: {  	[sflag:s29] =	ssyncadd.s32 $0xFFFFFFFF  }
0xb6: {  	_ =	strace $0x90000048  }
0xb7: {  	_ =	sfence  }
0xb8: {  	s30 =	sld [smem:$0x0];
	_ =	sdelay $0x2  }
0xb9: {  	s31 =	sshll.u32 s1, $0xD;
	s1 =	sshrl.u32 s1, $0x2  }
0xba: {  	s3 =	sand.u32 $0x4000, s31;
	s1 =	sadd.s32 s1, s30  }
0xbb: {  	s0 =	sor.u32 s3, s0;
	s1 =	sshll.u32 s1, $0x11  }
0xbc: {  	s0 =	sor.u32 s1, s0  }
0xbd: {  	s0 =	sadd.s32 $0x8F2B, s0  }
0xbe: {  	[sflag:s0] =	ssyncadd.remote.s32 $0x1  }
0xbf: {  	_ =	sfence.sel $0xFFFF  }
0xc0: {  	[dreg:$0x0] =	wrdreg $0xFFFFFFFF;
	(pc) =	sbr.abs _section_cstart, $3  }
0xc1: {  	[dreg:$0x1] =	wrdreg $0xFFFFFFFF  }
0xc2: {  	_ =	task.clear_ibuf [dreg:s7], $0x2FFFF;
	_ =	strace $0x9FFFFFFF  }
0xc3: {  	(tm) =	ssettm $0x7FFFFFFF  }
tec
execute0_lowered:
.L_overlay_start_1:
0x0: {  	(tag) =	ssettag $0x1  }
0x1: {  	s1 =	rddreg [dreg:$0x0]  }
0x2: {  	s9 =	rddreg [dreg:$0x1]  }
0x3: {  	s3 =	rddreg [dreg:$0x2]  }
0x4: {  	s0 =	rddreg [dreg:$0x3];
	s4 =	simm.s32 $0x0;
	s2 =	stileid.u32  }
0x5: {  	s6 =	srdreg.scid;
	s19 =	simm.s32 $0x2;
	s20 =	simm.s32 $0x80  }
0x6: {  	s21 =	simm.s32 $0x100;
	s22 =	simm.s32 $0x1;
	s24 =	simm.s32 $0x0  }
0x7: {  	[smem:$0x7FF] =	sst s4;
	s5 =	smul.u32 $0x2800, s2;
	s12 =	sand.u32 $0x1, s6  }
0x8: {  	s14 =	sadd.s32 $0xA600, s9;
	s15 =	sadd.s32 $0x800, s9;
	s10 =	smul.u32 $0x50000, s2  }
0x9: {  	s17 =	sshll.u32 s2, $0x4;
	p0 =	seq.s32 s2, $0xF;
	_ =	strace $0x80000047  }
0xa: {  	s6 =	smul.u32 $0x27100, s12;
	s8 =	ssub.s32 $0x2, s12;
	s13 =	sshll.u32 s12, $0x4  }
0xb: {  	s31 =	sor.u32 $0x9C00, s17;
	s18 =	sshll.u32 s12, $0x8;
	s7 =	sadd.s32 s5, s9  }
0xc: {  	s29 =	sshrl.u32 s8, $0x1;
	s23 =	sor.u32 s2, s13;
	s30 =	sshrl.u32 s10, $0x2  }
0xd: {  	s12 =	sadd.s32 s15, s31;
	s15 =	sadd.s32 s18, s15;
	s11 =	sadd.s32 s6, s9  }
0xe: {  	s16 =	ssub.s32 s8, s29;
	s6 =	sadd.s32 s30, s3;
	s7 =	sadd.s32 $0x14400, s7  }
.Ltmp0:
0xf: {  	s8 =	sadd.s32 $0x12C000, s3;
	s9 =	sadd.s32 $0x39C00, s9;
	(pc) =	sbr.rel .LBB2_1-.Ltmp0, $4  }
0x10: {  	s15 =	sadd.s32 s17, s15;
	p1 =	sgt.u32 s23, $0x3;
	s23 =	simm.s32 $0x1FC2  }
0x11: {  	s10 =	sadd.s32 $0x3B600, s11;
	s11 =	sadd.s32 s14, s31;
	s14 =	sadd.s32 s18, s14  }
0x12: {  	s13 =	smax.u32 s16, $0x1;
	s14 =	sadd.s32 s17, s14;
	s17 =	sshll.u32 @!p0 s2, $0x6  }
0x13: {  	s16 =	sshrl.u32 @p0 s8, $0x3;
	s18 =	sshrl.u32 @!p0 s6, $0x3;
	s17 =	sor.u32 @!p0 $0x1C02, s17  }
.LBB2_7:
0x14: {  	s25 =	sadd.s32 $0x25800, s10;
	s26 =	sshrl.u32 s8, $0x3  }
0x15: {  	[hbm:s25], [sflag:s23] =	dma.local [spmem:s26], $0x1900  }
0x16: {  	_ =	swait.ge [sflag:s19], $0x1900  }
0x17: {  	[sflag:s19] =	ssyncset.done $0x0  }
0x18: {  	[sflag:s19] =	ssyncadd.s32 $0xFFFFE700  }
.LBB2_8:
0x19: {  	s24 =	sadd.s32 $0x1, s24  }
0x1a: {  	p2 =	sne.s32 s24, s13  }
.Ltmp1:
0x1b: {  	_ = 	snop;
	(pc) =	sbr.rel @!p2 .LBB2_9-.Ltmp1, $1  }
0x1c: {  	_ =	sdelay $0x3  }
.LBB2_1:
0x1d: {  	s25 =	simm.s32 @p0 $0x1FC2  }
0x1e: {  	[spmem:s16], [sflag:s25] =	dma.local @p0 [hbm:s9], $0x1900  }
0x1f: {  	s25 =	simm.s32 @p0 $0x2  }
0x20: {  	_ =	swait.ge @p0 [sflag:s25], $0x1900  }
0x21: {  	[sflag:s25] =	ssyncset.done @p0 $0x0  }
0x22: {  	[sflag:s25] =	ssyncadd.s32 @p0 $0xFFFFE700;
	s25 =	simm.s32 @!p0 $0x2  }
0x23: {  	[spmem:s18], [sflag:s17] =	dma.local @!p0 [hbm:s7], $0x2800  }
0x24: {  	_ =	swait.ge @!p0 [sflag:s25], $0x2800  }
0x25: {  	[sflag:s25] =	ssyncset.done @!p0 $0x0  }
0x26: {  	[sflag:s25] =	ssyncadd.s32 @!p0 $0xFFFFD800  }
0x27: {  	s30 =	sadd.s32 $0x0, s14;
	[bflag:$0x0] =	sbarrier.arrive $0xFFFF  }
0x28: {  	[tilespmem:s4], [sflag:$0x2] =	stream.linear.gather [hbm4b:s30+s4], $0x80, $0x38;
	[tilespmem:$0x17980] =	vst v63  }
0x29: {  	_ =	swait.ge [sflag:s19], $0x80  }
0x2a: {  	[sflag:s19] =	ssyncset.done $0x0  }
0x2b: {  	s31 =	sadd.s32 $0x0, s15;
	[sflag:s19] =	ssyncadd.s32 $0xFFFFFF80  }
0x2c: {  	[tilespmem:s20], [sflag:$0x2] =	stream.linear.gather [hbm4b:s31+s4], $0x80, $0x38;
	[tilespmem:$0x17980] =	vst v63  }
0x2d: {  	_ =	swait.ge [sflag:s19], $0x80  }
0x2e: {  	[sflag:s19] =	ssyncset.done $0x0  }
0x2f: {  	[sflag:s19] =	ssyncadd.s32 $0xFFFFFF80  }
0x30: {  	[tilespmem:s21], [sflag:$0x1] =	stream.indirect.gather [hbm4b:s1+s20], $0x80, s4, s20, $0xb8;
	[tilespmem:$0x17980] =	vst v63  }
0x31: {  	_ =	swait.ge [sflag:s22], $0x4000  }
0x32: {  	[sflag:s22] =	ssyncset.done $0x0  }
0x33: {  	[sflag:s22] =	ssyncadd.s32 $0xFFFFC000  }
0x34: {  	[spmem:s3] =	stream.indirect.scatter.add.f32 [tilespmem:s21], [sflag:$0x2], $0x80, s20, s20, $0xb8;
	[tilespmem:$0x17980] =	vst v63  }
0x35: {  	_ =	swait.ge [sflag:s19], $0x4000  }
0x36: {  	s26 =	simm.s32 $0x400;
	s25 =	simm.s32 $0x200;
	[sflag:s19] =	ssyncset.done $0x0  }
.LBB2_2:
0x37: {  	s28 =	sadd.s32 s25, s14  }
0x38: {  	[sflag:s19] =	ssyncadd.s32 $0xFFFFC000;
	s29 =	smov.u32 s26;
	s30 =	sadd.s32 $0x200, s26  }
0x39: {  	[tilespmem:s4], [sflag:$0x2] =	stream.linear.gather [hbm4b:s28+s4], $0x80, $0x38;
	[tilespmem:$0x17980] =	vst v63  }
0x3a: {  	p2 =	sne.s32 s26, $0x9A00;
	_ =	swait.ge [sflag:s19], $0x80  }
0x3b: {  	[sflag:s19] =	ssyncset.done $0x0  }
0x3c: {  	s26 =	sadd.s32 s25, s15;
	s25 =	smov.u32 s29;
	[sflag:s19] =	ssyncadd.s32 $0xFFFFFF80  }
0x3d: {  	[tilespmem:s20], [sflag:$0x2] =	stream.linear.gather [hbm4b:s26+s4], $0x80, $0x38;
	[tilespmem:$0x17980] =	vst v63  }
0x3e: {  	_ =	swait.ge [sflag:s19], $0x80  }
0x3f: {  	[sflag:s19] =	ssyncset.done $0x0  }
0x40: {  	[sflag:s19] =	ssyncadd.s32 $0xFFFFFF80  }
0x41: {  	[tilespmem:s21], [sflag:$0x1] =	stream.indirect.gather [hbm4b:s1+s20], $0x80, s4, s20, $0xb8;
	[tilespmem:$0x17980] =	vst v63  }
0x42: {  	_ =	swait.ge [sflag:s22], $0x4000  }
.Ltmp2:
0x43: {  	[sflag:s22] =	ssyncset.done $0x0;
	(pc) =	sbr.rel @p2 .LBB2_2-.Ltmp2, $4  }
0x44: {  	[sflag:s22] =	ssyncadd.s32 $0xFFFFC000  }
0x45: {  	[spmem:s3] =	stream.indirect.scatter.add.f32 [tilespmem:s21], [sflag:$0x2], $0x80, s20, s20, $0xb8;
	[tilespmem:$0x17980] =	vst v63  }
0x46: {  	_ =	swait.ge [sflag:s19], $0x4000  }
0x47: {  	s26 =	smov.u32 s30;
	[sflag:s19] =	ssyncset.done $0x0  }
0x48: {  	s26 =	sadd.s32 s25, s14;
	[sflag:s19] =	ssyncadd.s32 $0xFFFFC000  }
0x49: {  	[tilespmem:s4], [sflag:$0x2] =	stream.linear.gather [hbm4b:s26+s4], $0x80, $0x38;
	[tilespmem:$0x17980] =	vst v63  }
0x4a: {  	_ =	swait.ge [sflag:s19], $0x80  }
0x4b: {  	[sflag:s19] =	ssyncset.done $0x0  }
0x4c: {  	s31 =	sadd.s32 s25, s15;
	[sflag:s19] =	ssyncadd.s32 $0xFFFFFF80  }
0x4d: {  	[tilespmem:s20], [sflag:$0x2] =	stream.linear.gather [hbm4b:s31+s4], $0x80, $0x38;
	[tilespmem:$0x17980] =	vst v63  }
0x4e: {  	_ =	swait.ge [sflag:s19], $0x80  }
0x4f: {  	[sflag:s19] =	ssyncset.done $0x0  }
0x50: {  	[sflag:s19] =	ssyncadd.s32 $0xFFFFFF80  }
0x51: {  	[tilespmem:s21], [sflag:$0x1] =	stream.indirect.gather [hbm4b:s1+s20], $0x80, s4, s20, $0xb8;
	[tilespmem:$0x17980] =	vst v63  }
0x52: {  	_ =	swait.ge [sflag:s22], $0x4000  }
0x53: {  	[sflag:s22] =	ssyncset.done $0x0  }
.Ltmp3:
0x54: {  	[sflag:s22] =	ssyncadd.s32 $0xFFFFC000;
	(pc) =	sbr.rel @p1 .LBB2_5-.Ltmp3, $4  }
0x55: {  	[spmem:s3] =	stream.indirect.scatter.add.f32 [tilespmem:s21], [sflag:$0x2], $0x80, s20, s20, $0xb8;
	[tilespmem:$0x17980] =	vst v63  }
0x56: {  	_ =	swait.ge [sflag:s19], $0x4000  }
0x57: {  	[sflag:s19] =	ssyncset.done $0x0  }
0x58: {  	[sflag:s19] =	ssyncadd.s32 $0xFFFFC000  }
0x59: {  	[tilespmem:s4], [sflag:$0x2] =	stream.linear.gather [hbm4b:s11+s4], $0x80, $0x38;
	[tilespmem:$0x17980] =	vst v63  }
0x5a: {  	_ =	swait.ge [sflag:s19], $0x80  }
0x5b: {  	[sflag:s19] =	ssyncset.done $0x0  }
0x5c: {  	[sflag:s19] =	ssyncadd.s32 $0xFFFFFF80  }
0x5d: {  	[tilespmem:s20], [sflag:$0x2] =	stream.linear.gather [hbm4b:s12+s4], $0x80, $0x38;
	[tilespmem:$0x17980] =	vst v63  }
0x5e: {  	_ =	swait.ge [sflag:s19], $0x80  }
0x5f: {  	[sflag:s19] =	ssyncset.done $0x0  }
0x60: {  	[sflag:s19] =	ssyncadd.s32 $0xFFFFFF80  }
0x61: {  	[tilespmem:s21], [sflag:$0x1] =	stream.indirect.gather [hbm4b:s1+s20], $0x80, s4, s20, $0xb8;
	[tilespmem:$0x17980] =	vst v63  }
0x62: {  	_ =	swait.ge [sflag:s22], $0x4000  }
0x63: {  	[sflag:s22] =	ssyncset.done $0x0  }
0x64: {  	[sflag:s22] =	ssyncadd.s32 $0xFFFFC000  }
0x65: {  	[spmem:s3] =	stream.indirect.scatter.add.f32 [tilespmem:s21], [sflag:$0x2], $0x80, s20, s20, $0xb8;
	[tilespmem:$0x17980] =	vst v63  }
.Ltmp4:
0x66: {  	_ =	swait.ge [sflag:s19], $0x4000;
	(pc) =	sbr.rel .LBB2_6-.Ltmp4, $3  }
0x67: {  	[sflag:s19] =	ssyncset.done $0x0  }
0x68: {  	[sflag:s19] =	ssyncadd.s32 $0xFFFFC000  }
0x69: {  	[bflag:$0x0] =	sbarrier.arrive $0xFFFF;
	_ =	sdelay $0x1  }
.LBB2_5:
.Ltmp5:
0x6a: {  	(pc) =	sbr.rel @p0 .LBB2_7-.Ltmp5, $2  }
0x6b: {  	_ =	sdelay $0x1  }
0x6c: {  	[bflag:$0x0] =	sbarrier.arrive $0xFFFF;
	_ =	sdelay $0x1  }
.LBB2_6:
0x6d: {  	s25 =	sshll.u32 s2, $0x6;
	s26 =	sadd.s32 s5, s10  }
.Ltmp6:
0x6e: {  	s28 =	sshrl.u32 s6, $0x3;
	s25 =	sor.u32 $0x1C02, s25;
	(pc) =	sbr.rel .LBB2_8-.Ltmp6, $4  }
0x6f: {  	[hbm:s26], [sflag:s25] =	dma.local [spmem:s28], $0x2800  }
0x70: {  	_ =	swait.ge [sflag:s19], $0x2800  }
0x71: {  	[sflag:s19] =	ssyncset.done $0x0  }
0x72: {  	[sflag:s19] =	ssyncadd.s32 $0xFFFFD800  }
.LBB2_9:
0x73: {  	_ =	sfence.sel $0x180000  }
0x74: {  	[bflag:$0x0] =	sbarrier.arrive $0xFFFF  }
0x75: {  	p0 =	sne.s32 s2, $0x0;
	_ =	strace $0x90000047  }
0x76: {  	s0 =	sadd.s32 @!p0 $0x100000, s0;
	[bflag:$0x2] =	sbarrier.arrive $0xFFFF  }
0x77: {  	[sflag:s0] =	ssyncadd.tile.s32 @!p0 $0x1;
	_ =	shalt  }
.Lfunc_end2:
_tile_overlayer_lowered:
.L_overlay_start_2:
0x78: {  	(tag) =	ssettag $0x2  }
0x79: {  	s0 =	rddreg [dreg:$0x0];
	s2 =	stileid.u32  }
0x7a: {  	s1 =	rddreg [dreg:$0x1];
	p0 =	sne.s32 s2, $0x0  }
0x7b: {  	s3 =	rddreg [dreg:$0x2];
	[bflag:$0x3] =	sbarrier.arrive $0xFFFF;
	s2 =	simm.s32 @!p0 $0x1C02  }
0x7c: {  	[timem:s3], [sflag:s2] =	dma.local @!p0 [hbm:s0], s1  }
0x7d: {  	s0 =	simm.s32 @!p0 $0x2  }
0x7e: {  	_ =	swait.ge @!p0 [sflag:s0], s1  }
0x7f: {  	s1 =	ssub.s32 @!p0 $0x0, s1;
	[sflag:s0] =	ssyncset.done @!p0 $0x0  }
0x80: {  	[sflag:s0] =	ssyncadd.s32 @!p0 s1  }
0x81: {  	[bflag:$0x3] =	sbarrier.arrive $0xFFFF  }
0x82: {  	_ =	shalt  }

</sc_bundles>
